<compile_context>
chip_gen: v7x
topology: tpu7x:2x2x1
jax: 0.10.2.dev20260603
libtpu: 0.0.44.dev20260713+nightly
codegen_flags: <defaults>
</compile_context>

<pallas_src>
import functools

import jax
import jax.numpy as jnp
from jax import lax
from jax.experimental import pallas as pl
from jax.experimental.pallas import tpu as pltpu
from jax.experimental.pallas import tpu_sc as plsc

_N = 4
_K = 2

_mesh = plsc.ScalarSubcoreMesh(axis_name="c", num_cores=1)


@functools.partial(
    pl.kernel,
    mesh=_mesh,
    out_type=jax.ShapeDtypeStruct((_N,), jnp.float32),
    scratch_types=[
        pltpu.SMEM((_N,), jnp.float32),
        pltpu.SMEM((_N,), jnp.float32),
    ],
    compiler_params=pltpu.CompilerParams(needs_layout_passes=False),
)
def _gate_topk_scs(gate_hbm, out_hbm, g_s, o_s):
    pltpu.sync_copy(gate_hbm, g_s)
    x = [g_s[i] for i in range(_N)]
    m = jnp.maximum(jnp.maximum(x[0], x[1]), jnp.maximum(x[2], x[3]))

    def _exp(z):
        t = jnp.maximum(z * jnp.float32(1.4426950408889634), jnp.float32(-28.0))
        ti = t.astype(jnp.int32)
        fi = ti.astype(jnp.float32)
        ti = ti - (fi > t).astype(jnp.int32)
        f = t - ti.astype(jnp.float32)
        p = jnp.float32(1.3697664475809267e-2)
        p = p * f + jnp.float32(5.1690358205939469e-2)
        p = p * f + jnp.float32(2.4163844572498163e-1)
        p = p * f + jnp.float32(6.9296612266139567e-1)
        p = p * f + jnp.float32(1.0000026977044459e0)
        pow2i = lax.shift_left(jnp.int32(1), ti + jnp.int32(29)).astype(
            jnp.float32) * jnp.float32(2.0 ** -29)
        return p * pow2i

    e = [_exp(xi - m) for xi in x]
    s = e[0] + e[1] + e[2] + e[3]
    y = jnp.float32(0.9) - jnp.float32(0.2) * s
    for _ in range(5):
        y = y * (jnp.float32(2.0) - s * y)
    inv = y
    for i in range(_N):
        rank = 0
        for j in range(_N):
            if j == i:
                continue
            ahead = (x[j] > x[i]) | ((x[j] == x[i]) & (j < i))
            rank = rank + ahead.astype(jnp.int32)
        o_s[i] = jnp.where(rank < _K, e[i] * inv, 0.0)
    pltpu.sync_copy(o_s, out_hbm)


def kernel(gate):
    return _gate_topk_scs(gate)

# --- scband reference (transcript-rebuilt; emitter-appended) ---
"""Pipeline reference for scband-topk-gate-network-82867099009258 (READ-ONLY COPY).

The authoritative reference and input builder live on the scoring server;
editing this copy changes nothing except your own understanding.
"""

import jax, jax.numpy as jnp
import numpy as np

NUM_EXPERTS = 4
TOP_K = 2

def setup_inputs(seed: int = 0) -> dict:
    key = jax.random.key(seed)
    # learned parameter: gate, init_type='random' -> randn(num_experts) * sqrt(2/num_experts)
    gate = jax.random.normal(key, (NUM_EXPERTS,), dtype=jnp.float32) * np.sqrt(2.0 / NUM_EXPERTS)
    return {"gate": gate}

def reference(gate):
    # softmax over the single gate vector
    softmax_weights = jax.nn.softmax(gate, axis=0)
    # top-k selection
    top_k_values, top_k_indices = jax.lax.top_k(softmax_weights, TOP_K)
    # scatter-overwrite the selected values into a zero vector
    sparse_weights = jnp.zeros_like(softmax_weights).at[top_k_indices].set(top_k_values)
    return sparse_weights

if __name__ == "__main__":
    import jax
    _d = setup_inputs()
    print(jax.jit(kernel)(*tuple(_d.values())))

</pallas_src>

<mosaic_0001>
#map = affine_map<(d0) -> (0)>
module attributes {stable_mosaic.version = 14 : i64} {
  func.func @_gate_topk_scs(%arg0: i32, %arg1: memref<4xf32, #tpu.memory_space<hbm>>, %arg2: memref<4xf32, #tpu.memory_space<hbm>>, %arg3: memref<4xf32, #tpu.memory_space<smem>>, %arg4: memref<4xf32, #tpu.memory_space<smem>>) attributes {dimension_semantics = [#tpu.dimension_semantics<core_parallel>], iteration_bounds = array<i64: 1>, scalar_prefetch = 0 : i64, scratch_operands = 2 : i64, tpu.core_type = #tpu.core_type<sc_scalar_subcore>, window_params = [{transform_indices = #map}, {transform_indices = #map}]} {
    "tpu.region"() ({
      %run_scoped3A = tpu.sem_alloc : memref<!tpu.dma_semaphore, #tpu.memory_space<semaphore_mem>>
      tpu.enqueue_dma source(%arg1 : memref<4xf32, #tpu.memory_space<hbm>>) target(%arg3 : memref<4xf32, #tpu.memory_space<smem>>) target_semaphore(%run_scoped3A : memref<!tpu.dma_semaphore, #tpu.memory_space<semaphore_mem>>)
      tpu.wait_dma2 semaphore(%run_scoped3A : memref<!tpu.dma_semaphore, #tpu.memory_space<semaphore_mem>>) src(%arg1 : memref<4xf32, #tpu.memory_space<hbm>>) dst(%arg3 : memref<4xf32, #tpu.memory_space<smem>>)
      tpu.yield
    }) : () -> ()
    %get3A = arith.constant 0 : i32
    %get3A_0 = arith.index_cast %get3A : i32 to index
    %get3A_1 = memref.load %arg3[%get3A_0] : memref<4xf32, #tpu.memory_space<smem>>
    %get3A_2 = arith.constant 1 : i32
    %get3A_3 = arith.index_cast %get3A_2 : i32 to index
    %get3A_4 = memref.load %arg3[%get3A_3] : memref<4xf32, #tpu.memory_space<smem>>
    %get3A_5 = arith.constant 2 : i32
    %get3A_6 = arith.index_cast %get3A_5 : i32 to index
    %get3A_7 = memref.load %arg3[%get3A_6] : memref<4xf32, #tpu.memory_space<smem>>
    %get3A_8 = arith.constant 3 : i32
    %get3A_9 = arith.index_cast %get3A_8 : i32 to index
    %get3A_10 = memref.load %arg3[%get3A_9] : memref<4xf32, #tpu.memory_space<smem>>
    %max3A = arith.maximumf %get3A_1, %get3A_4 : f32
    %max3A_11 = arith.maximumf %get3A_7, %get3A_10 : f32
    %max3A_12 = arith.maximumf %max3A, %max3A_11 : f32
    %sub3A = arith.subf %get3A_1, %max3A_12 : f32
    %mul3A = arith.constant 1.44269502 : f32
    %mul3A_13 = arith.mulf %sub3A, %mul3A : f32
    %max3A_14 = arith.constant -2.800000e+01 : f32
    %max3A_15 = arith.maximumf %mul3A_13, %max3A_14 : f32
    %convert_element_type3A = arith.fptosi %max3A_15 : f32 to i32
    %convert_element_type3A_16 = arith.sitofp %convert_element_type3A : i32 to f32
    %gt3A = arith.cmpf ogt, %convert_element_type3A_16, %max3A_15 : f32
    %convert_element_type3A_17 = arith.extui %gt3A : i1 to i32
    %sub3A_18 = arith.subi %convert_element_type3A, %convert_element_type3A_17 : i32
    %convert_element_type3A_19 = arith.sitofp %sub3A_18 : i32 to f32
    %sub3A_20 = arith.subf %max3A_15, %convert_element_type3A_19 : f32
    %mul3A_21 = arith.constant 0.0136976643 : f32
    %mul3A_22 = arith.mulf %mul3A_21, %sub3A_20 : f32
    %add3A = arith.constant 0.0516903587 : f32
    %add3A_23 = arith.addf %mul3A_22, %add3A : f32
    %mul3A_24 = arith.mulf %add3A_23, %sub3A_20 : f32
    %add3A_25 = arith.constant 0.241638452 : f32
    %add3A_26 = arith.addf %mul3A_24, %add3A_25 : f32
    %mul3A_27 = arith.mulf %add3A_26, %sub3A_20 : f32
    %add3A_28 = arith.constant 0.692966104 : f32
    %add3A_29 = arith.addf %mul3A_27, %add3A_28 : f32
    %mul3A_30 = arith.mulf %add3A_29, %sub3A_20 : f32
    %add3A_31 = arith.constant 1.00000274 : f32
    %add3A_32 = arith.addf %mul3A_30, %add3A_31 : f32
    %add3A_33 = arith.constant 29 : i32
    %add3A_34 = arith.addi %sub3A_18, %add3A_33 : i32
    %shift_left3A = arith.constant 1 : i32
    %shift_left3A_35 = arith.shli %shift_left3A, %add3A_34 : i32
    %convert_element_type3A_36 = arith.sitofp %shift_left3A_35 : i32 to f32
    %mul3A_37 = arith.constant 1.86264515E-9 : f32
    %mul3A_38 = arith.mulf %convert_element_type3A_36, %mul3A_37 : f32
    %mul3A_39 = arith.mulf %add3A_32, %mul3A_38 : f32
    %sub3A_40 = arith.subf %get3A_4, %max3A_12 : f32
    %mul3A_41 = arith.constant 1.44269502 : f32
    %mul3A_42 = arith.mulf %sub3A_40, %mul3A_41 : f32
    %max3A_43 = arith.constant -2.800000e+01 : f32
    %max3A_44 = arith.maximumf %mul3A_42, %max3A_43 : f32
    %convert_element_type3A_45 = arith.fptosi %max3A_44 : f32 to i32
    %convert_element_type3A_46 = arith.sitofp %convert_element_type3A_45 : i32 to f32
    %gt3A_47 = arith.cmpf ogt, %convert_element_type3A_46, %max3A_44 : f32
    %convert_element_type3A_48 = arith.extui %gt3A_47 : i1 to i32
    %sub3A_49 = arith.subi %convert_element_type3A_45, %convert_element_type3A_48 : i32
    %convert_element_type3A_50 = arith.sitofp %sub3A_49 : i32 to f32
    %sub3A_51 = arith.subf %max3A_44, %convert_element_type3A_50 : f32
    %mul3A_52 = arith.constant 0.0136976643 : f32
    %mul3A_53 = arith.mulf %mul3A_52, %sub3A_51 : f32
    %add3A_54 = arith.constant 0.0516903587 : f32
    %add3A_55 = arith.addf %mul3A_53, %add3A_54 : f32
    %mul3A_56 = arith.mulf %add3A_55, %sub3A_51 : f32
    %add3A_57 = arith.constant 0.241638452 : f32
    %add3A_58 = arith.addf %mul3A_56, %add3A_57 : f32
    %mul3A_59 = arith.mulf %add3A_58, %sub3A_51 : f32
    %add3A_60 = arith.constant 0.692966104 : f32
    %add3A_61 = arith.addf %mul3A_59, %add3A_60 : f32
    %mul3A_62 = arith.mulf %add3A_61, %sub3A_51 : f32
    %add3A_63 = arith.constant 1.00000274 : f32
    %add3A_64 = arith.addf %mul3A_62, %add3A_63 : f32
    %add3A_65 = arith.constant 29 : i32
    %add3A_66 = arith.addi %sub3A_49, %add3A_65 : i32
    %shift_left3A_67 = arith.constant 1 : i32
    %shift_left3A_68 = arith.shli %shift_left3A_67, %add3A_66 : i32
    %convert_element_type3A_69 = arith.sitofp %shift_left3A_68 : i32 to f32
    %mul3A_70 = arith.constant 1.86264515E-9 : f32
    %mul3A_71 = arith.mulf %convert_element_type3A_69, %mul3A_70 : f32
    %mul3A_72 = arith.mulf %add3A_64, %mul3A_71 : f32
    %sub3A_73 = arith.subf %get3A_7, %max3A_12 : f32
    %mul3A_74 = arith.constant 1.44269502 : f32
    %mul3A_75 = arith.mulf %sub3A_73, %mul3A_74 : f32
    %max3A_76 = arith.constant -2.800000e+01 : f32
    %max3A_77 = arith.maximumf %mul3A_75, %max3A_76 : f32
    %convert_element_type3A_78 = arith.fptosi %max3A_77 : f32 to i32
    %convert_element_type3A_79 = arith.sitofp %convert_element_type3A_78 : i32 to f32
    %gt3A_80 = arith.cmpf ogt, %convert_element_type3A_79, %max3A_77 : f32
    %convert_element_type3A_81 = arith.extui %gt3A_80 : i1 to i32
    %sub3A_82 = arith.subi %convert_element_type3A_78, %convert_element_type3A_81 : i32
    %convert_element_type3A_83 = arith.sitofp %sub3A_82 : i32 to f32
    %sub3A_84 = arith.subf %max3A_77, %convert_element_type3A_83 : f32
    %mul3A_85 = arith.constant 0.0136976643 : f32
    %mul3A_86 = arith.mulf %mul3A_85, %sub3A_84 : f32
    %add3A_87 = arith.constant 0.0516903587 : f32
    %add3A_88 = arith.addf %mul3A_86, %add3A_87 : f32
    %mul3A_89 = arith.mulf %add3A_88, %sub3A_84 : f32
    %add3A_90 = arith.constant 0.241638452 : f32
    %add3A_91 = arith.addf %mul3A_89, %add3A_90 : f32
    %mul3A_92 = arith.mulf %add3A_91, %sub3A_84 : f32
    %add3A_93 = arith.constant 0.692966104 : f32
    %add3A_94 = arith.addf %mul3A_92, %add3A_93 : f32
    %mul3A_95 = arith.mulf %add3A_94, %sub3A_84 : f32
    %add3A_96 = arith.constant 1.00000274 : f32
    %add3A_97 = arith.addf %mul3A_95, %add3A_96 : f32
    %add3A_98 = arith.constant 29 : i32
    %add3A_99 = arith.addi %sub3A_82, %add3A_98 : i32
    %shift_left3A_100 = arith.constant 1 : i32
    %shift_left3A_101 = arith.shli %shift_left3A_100, %add3A_99 : i32
    %convert_element_type3A_102 = arith.sitofp %shift_left3A_101 : i32 to f32
    %mul3A_103 = arith.constant 1.86264515E-9 : f32
    %mul3A_104 = arith.mulf %convert_element_type3A_102, %mul3A_103 : f32
    %mul3A_105 = arith.mulf %add3A_97, %mul3A_104 : f32
    %sub3A_106 = arith.subf %get3A_10, %max3A_12 : f32
    %mul3A_107 = arith.constant 1.44269502 : f32
    %mul3A_108 = arith.mulf %sub3A_106, %mul3A_107 : f32
    %max3A_109 = arith.constant -2.800000e+01 : f32
    %max3A_110 = arith.maximumf %mul3A_108, %max3A_109 : f32
    %convert_element_type3A_111 = arith.fptosi %max3A_110 : f32 to i32
    %convert_element_type3A_112 = arith.sitofp %convert_element_type3A_111 : i32 to f32
    %gt3A_113 = arith.cmpf ogt, %convert_element_type3A_112, %max3A_110 : f32
    %convert_element_type3A_114 = arith.extui %gt3A_113 : i1 to i32
    %sub3A_115 = arith.subi %convert_element_type3A_111, %convert_element_type3A_114 : i32
    %convert_element_type3A_116 = arith.sitofp %sub3A_115 : i32 to f32
    %sub3A_117 = arith.subf %max3A_110, %convert_element_type3A_116 : f32
    %mul3A_118 = arith.constant 0.0136976643 : f32
    %mul3A_119 = arith.mulf %mul3A_118, %sub3A_117 : f32
    %add3A_120 = arith.constant 0.0516903587 : f32
    %add3A_121 = arith.addf %mul3A_119, %add3A_120 : f32
    %mul3A_122 = arith.mulf %add3A_121, %sub3A_117 : f32
    %add3A_123 = arith.constant 0.241638452 : f32
    %add3A_124 = arith.addf %mul3A_122, %add3A_123 : f32
    %mul3A_125 = arith.mulf %add3A_124, %sub3A_117 : f32
    %add3A_126 = arith.constant 0.692966104 : f32
    %add3A_127 = arith.addf %mul3A_125, %add3A_126 : f32
    %mul3A_128 = arith.mulf %add3A_127, %sub3A_117 : f32
    %add3A_129 = arith.constant 1.00000274 : f32
    %add3A_130 = arith.addf %mul3A_128, %add3A_129 : f32
    %add3A_131 = arith.constant 29 : i32
    %add3A_132 = arith.addi %sub3A_115, %add3A_131 : i32
    %shift_left3A_133 = arith.constant 1 : i32
    %shift_left3A_134 = arith.shli %shift_left3A_133, %add3A_132 : i32
    %convert_element_type3A_135 = arith.sitofp %shift_left3A_134 : i32 to f32
    %mul3A_136 = arith.constant 1.86264515E-9 : f32
    %mul3A_137 = arith.mulf %convert_element_type3A_135, %mul3A_136 : f32
    %mul3A_138 = arith.mulf %add3A_130, %mul3A_137 : f32
    %add3A_139 = arith.addf %mul3A_39, %mul3A_72 : f32
    %add3A_140 = arith.addf %add3A_139, %mul3A_105 : f32
    %add3A_141 = arith.addf %add3A_140, %mul3A_138 : f32
    %mul3A_142 = arith.constant 2.000000e-01 : f32
    %mul3A_143 = arith.mulf %mul3A_142, %add3A_141 : f32
    %sub3A_144 = arith.constant 0.899999976 : f32
    %sub3A_145 = arith.subf %sub3A_144, %mul3A_143 : f32
    %mul3A_146 = arith.mulf %add3A_141, %sub3A_145 : f32
    %sub3A_147 = arith.constant 2.000000e+00 : f32
    %sub3A_148 = arith.subf %sub3A_147, %mul3A_146 : f32
    %mul3A_149 = arith.mulf %sub3A_145, %sub3A_148 : f32
    %mul3A_150 = arith.mulf %add3A_141, %mul3A_149 : f32
    %sub3A_151 = arith.constant 2.000000e+00 : f32
    %sub3A_152 = arith.subf %sub3A_151, %mul3A_150 : f32
    %mul3A_153 = arith.mulf %mul3A_149, %sub3A_152 : f32
    %mul3A_154 = arith.mulf %add3A_141, %mul3A_153 : f32
    %sub3A_155 = arith.constant 2.000000e+00 : f32
    %sub3A_156 = arith.subf %sub3A_155, %mul3A_154 : f32
    %mul3A_157 = arith.mulf %mul3A_153, %sub3A_156 : f32
    %mul3A_158 = arith.mulf %add3A_141, %mul3A_157 : f32
    %sub3A_159 = arith.constant 2.000000e+00 : f32
    %sub3A_160 = arith.subf %sub3A_159, %mul3A_158 : f32
    %mul3A_161 = arith.mulf %mul3A_157, %sub3A_160 : f32
    %mul3A_162 = arith.mulf %add3A_141, %mul3A_161 : f32
    %sub3A_163 = arith.constant 2.000000e+00 : f32
    %sub3A_164 = arith.subf %sub3A_163, %mul3A_162 : f32
    %mul3A_165 = arith.mulf %mul3A_161, %sub3A_164 : f32
    %gt3A_166 = arith.cmpf ogt, %get3A_4, %get3A_1 : f32
    %eq3A = arith.cmpf oeq, %get3A_4, %get3A_1 : f32
    %and3A = arith.constant false
    %and3A_167 = arith.andi %eq3A, %and3A : i1
    %or3A = arith.ori %gt3A_166, %and3A_167 : i1
    %convert_element_type3A_168 = arith.extui %or3A : i1 to i32
    %add3A_169 = arith.constant 0 : i32
    %add3A_170 = arith.addi %add3A_169, %convert_element_type3A_168 : i32
    %gt3A_171 = arith.cmpf ogt, %get3A_7, %get3A_1 : f32
    %eq3A_172 = arith.cmpf oeq, %get3A_7, %get3A_1 : f32
    %and3A_173 = arith.constant false
    %and3A_174 = arith.andi %eq3A_172, %and3A_173 : i1
    %or3A_175 = arith.ori %gt3A_171, %and3A_174 : i1
    %convert_element_type3A_176 = arith.extui %or3A_175 : i1 to i32
    %add3A_177 = arith.addi %add3A_170, %convert_element_type3A_176 : i32
    %gt3A_178 = arith.cmpf ogt, %get3A_10, %get3A_1 : f32
    %eq3A_179 = arith.cmpf oeq, %get3A_10, %get3A_1 : f32
    %and3A_180 = arith.constant false
    %and3A_181 = arith.andi %eq3A_179, %and3A_180 : i1
    %or3A_182 = arith.ori %gt3A_178, %and3A_181 : i1
    %convert_element_type3A_183 = arith.extui %or3A_182 : i1 to i32
    %add3A_184 = arith.addi %add3A_177, %convert_element_type3A_183 : i32
    %lt3A = arith.constant 2 : i32
    %lt3A_185 = arith.cmpi slt, %add3A_184, %lt3A : i32
    %mul3A_186 = arith.mulf %mul3A_39, %mul3A_165 : f32
    %jit3A = arith.constant 0.000000e+00 : f32
    %select_n3A = arith.select %lt3A_185, %mul3A_186, %jit3A : f32
    %swap3A = arith.constant 0 : i32
    %swap3A_187 = arith.index_cast %swap3A : i32 to index
    %swap3A_188 = memref.load %arg4[%swap3A_187] : memref<4xf32, #tpu.memory_space<smem>>
    memref.store %select_n3A, %arg4[%swap3A_187] : memref<4xf32, #tpu.memory_space<smem>>
    %gt3A_189 = arith.cmpf ogt, %get3A_1, %get3A_4 : f32
    %eq3A_190 = arith.cmpf oeq, %get3A_1, %get3A_4 : f32
    %and3A_191 = arith.constant true
    %and3A_192 = arith.andi %eq3A_190, %and3A_191 : i1
    %or3A_193 = arith.ori %gt3A_189, %and3A_192 : i1
    %convert_element_type3A_194 = arith.extui %or3A_193 : i1 to i32
    %add3A_195 = arith.constant 0 : i32
    %add3A_196 = arith.addi %add3A_195, %convert_element_type3A_194 : i32
    %gt3A_197 = arith.cmpf ogt, %get3A_7, %get3A_4 : f32
    %eq3A_198 = arith.cmpf oeq, %get3A_7, %get3A_4 : f32
    %and3A_199 = arith.constant false
    %and3A_200 = arith.andi %eq3A_198, %and3A_199 : i1
    %or3A_201 = arith.ori %gt3A_197, %and3A_200 : i1
    %convert_element_type3A_202 = arith.extui %or3A_201 : i1 to i32
    %add3A_203 = arith.addi %add3A_196, %convert_element_type3A_202 : i32
    %gt3A_204 = arith.cmpf ogt, %get3A_10, %get3A_4 : f32
    %eq3A_205 = arith.cmpf oeq, %get3A_10, %get3A_4 : f32
    %and3A_206 = arith.constant false
    %and3A_207 = arith.andi %eq3A_205, %and3A_206 : i1
    %or3A_208 = arith.ori %gt3A_204, %and3A_207 : i1
    %convert_element_type3A_209 = arith.extui %or3A_208 : i1 to i32
    %add3A_210 = arith.addi %add3A_203, %convert_element_type3A_209 : i32
    %lt3A_211 = arith.constant 2 : i32
    %lt3A_212 = arith.cmpi slt, %add3A_210, %lt3A_211 : i32
    %mul3A_213 = arith.mulf %mul3A_72, %mul3A_165 : f32
    %jit3A_214 = arith.constant 0.000000e+00 : f32
    %select_n3A_215 = arith.select %lt3A_212, %mul3A_213, %jit3A_214 : f32
    %swap3A_216 = arith.constant 1 : i32
    %swap3A_217 = arith.index_cast %swap3A_216 : i32 to index
    %swap3A_218 = memref.load %arg4[%swap3A_217] : memref<4xf32, #tpu.memory_space<smem>>
    memref.store %select_n3A_215, %arg4[%swap3A_217] : memref<4xf32, #tpu.memory_space<smem>>
    %gt3A_219 = arith.cmpf ogt, %get3A_1, %get3A_7 : f32
    %eq3A_220 = arith.cmpf oeq, %get3A_1, %get3A_7 : f32
    %and3A_221 = arith.constant true
    %and3A_222 = arith.andi %eq3A_220, %and3A_221 : i1
    %or3A_223 = arith.ori %gt3A_219, %and3A_222 : i1
    %convert_element_type3A_224 = arith.extui %or3A_223 : i1 to i32
    %add3A_225 = arith.constant 0 : i32
    %add3A_226 = arith.addi %add3A_225, %convert_element_type3A_224 : i32
    %gt3A_227 = arith.cmpf ogt, %get3A_4, %get3A_7 : f32
    %eq3A_228 = arith.cmpf oeq, %get3A_4, %get3A_7 : f32
    %and3A_229 = arith.constant true
    %and3A_230 = arith.andi %eq3A_228, %and3A_229 : i1
    %or3A_231 = arith.ori %gt3A_227, %and3A_230 : i1
    %convert_element_type3A_232 = arith.extui %or3A_231 : i1 to i32
    %add3A_233 = arith.addi %add3A_226, %convert_element_type3A_232 : i32
    %gt3A_234 = arith.cmpf ogt, %get3A_10, %get3A_7 : f32
    %eq3A_235 = arith.cmpf oeq, %get3A_10, %get3A_7 : f32
    %and3A_236 = arith.constant false
    %and3A_237 = arith.andi %eq3A_235, %and3A_236 : i1
    %or3A_238 = arith.ori %gt3A_234, %and3A_237 : i1
    %convert_element_type3A_239 = arith.extui %or3A_238 : i1 to i32
    %add3A_240 = arith.addi %add3A_233, %convert_element_type3A_239 : i32
    %lt3A_241 = arith.constant 2 : i32
    %lt3A_242 = arith.cmpi slt, %add3A_240, %lt3A_241 : i32
    %mul3A_243 = arith.mulf %mul3A_105, %mul3A_165 : f32
    %jit3A_244 = arith.constant 0.000000e+00 : f32
    %select_n3A_245 = arith.select %lt3A_242, %mul3A_243, %jit3A_244 : f32
    %swap3A_246 = arith.constant 2 : i32
    %swap3A_247 = arith.index_cast %swap3A_246 : i32 to index
    %swap3A_248 = memref.load %arg4[%swap3A_247] : memref<4xf32, #tpu.memory_space<smem>>
    memref.store %select_n3A_245, %arg4[%swap3A_247] : memref<4xf32, #tpu.memory_space<smem>>
    %gt3A_249 = arith.cmpf ogt, %get3A_1, %get3A_10 : f32
    %eq3A_250 = arith.cmpf oeq, %get3A_1, %get3A_10 : f32
    %and3A_251 = arith.constant true
    %and3A_252 = arith.andi %eq3A_250, %and3A_251 : i1
    %or3A_253 = arith.ori %gt3A_249, %and3A_252 : i1
    %convert_element_type3A_254 = arith.extui %or3A_253 : i1 to i32
    %add3A_255 = arith.constant 0 : i32
    %add3A_256 = arith.addi %add3A_255, %convert_element_type3A_254 : i32
    %gt3A_257 = arith.cmpf ogt, %get3A_4, %get3A_10 : f32
    %eq3A_258 = arith.cmpf oeq, %get3A_4, %get3A_10 : f32
    %and3A_259 = arith.constant true
    %and3A_260 = arith.andi %eq3A_258, %and3A_259 : i1
    %or3A_261 = arith.ori %gt3A_257, %and3A_260 : i1
    %convert_element_type3A_262 = arith.extui %or3A_261 : i1 to i32
    %add3A_263 = arith.addi %add3A_256, %convert_element_type3A_262 : i32
    %gt3A_264 = arith.cmpf ogt, %get3A_7, %get3A_10 : f32
    %eq3A_265 = arith.cmpf oeq, %get3A_7, %get3A_10 : f32
    %and3A_266 = arith.constant true
    %and3A_267 = arith.andi %eq3A_265, %and3A_266 : i1
    %or3A_268 = arith.ori %gt3A_264, %and3A_267 : i1
    %convert_element_type3A_269 = arith.extui %or3A_268 : i1 to i32
    %add3A_270 = arith.addi %add3A_263, %convert_element_type3A_269 : i32
    %lt3A_271 = arith.constant 2 : i32
    %lt3A_272 = arith.cmpi slt, %add3A_270, %lt3A_271 : i32
    %mul3A_273 = arith.mulf %mul3A_138, %mul3A_165 : f32
    %jit3A_274 = arith.constant 0.000000e+00 : f32
    %select_n3A_275 = arith.select %lt3A_272, %mul3A_273, %jit3A_274 : f32
    %swap3A_276 = arith.constant 3 : i32
    %swap3A_277 = arith.index_cast %swap3A_276 : i32 to index
    %swap3A_278 = memref.load %arg4[%swap3A_277] : memref<4xf32, #tpu.memory_space<smem>>
    memref.store %select_n3A_275, %arg4[%swap3A_277] : memref<4xf32, #tpu.memory_space<smem>>
    "tpu.region"() ({
      %run_scoped3A = tpu.sem_alloc : memref<!tpu.dma_semaphore, #tpu.memory_space<semaphore_mem>>
      tpu.enqueue_dma source(%arg4 : memref<4xf32, #tpu.memory_space<smem>>) target(%arg2 : memref<4xf32, #tpu.memory_space<hbm>>) target_semaphore(%run_scoped3A : memref<!tpu.dma_semaphore, #tpu.memory_space<semaphore_mem>>)
      tpu.wait_dma2 semaphore(%run_scoped3A : memref<!tpu.dma_semaphore, #tpu.memory_space<semaphore_mem>>) src(%arg4 : memref<4xf32, #tpu.memory_space<smem>>) dst(%arg2 : memref<4xf32, #tpu.memory_space<hbm>>)
      tpu.yield
    }) : () -> ()
    return
  }
}

</mosaic_0001>

<sc_bundles>
// kernel: kernel.3.cloned.1.call-start
scs
__scs_entry_jumppad:
0x0: {  	(pc) =	sbr.rel $0x88, $3  }
0x1: {  	(tag) =	ssettag $0x0;
	lr =	simm.s32 $0x1  }
0x2: {  	[smem:$0x3FA0] =	sst lr;
	_ =	strace $0xD0000000  }
0x3: {  	_ = 	snop  }
0x4: {  	_ = 	snop  }
0x5: {  	_ = 	snop  }
0x6: {  	_ = 	snop  }
0x7: {  	_ = 	snop  }
__scs_overlays_trampoline_lowered:
0x8: {  	[smem:$0x3FAF] =	sst s0  }
0x9: {  	[smem:$0x3FB0] =	sst s1  }
0xa: {  	[smem:$0x3FB1] =	sst s2  }
0xb: {  	[smem:$0x3FB2] =	sst s3  }
0xc: {  	[smem:$0x3FB3] =	sst s4  }
0xd: {  	[smem:$0x3FB4] =	sst s5  }
0xe: {  	[smem:$0x3FB5] =	sst s6  }
0xf: {  	[smem:$0x3FB6] =	sst s7  }
0x10: {  	[smem:$0x3FB7] =	sst s8  }
0x11: {  	[smem:$0x3FB8] =	sst s9;
	s0 =	simm.s32 @!p0 $0x0  }
0x12: {  	s1 =	sld [smem:$0x3F9E];
	s0 =	simm.s32 @p0 $0x1  }
0x13: {  	[smem:$0x3FB9] =	sst s0;
	s0 =	simm.s32 @!p1 $0x0  }
0x14: {  	s2 =	sld [smem:$0x3F9D];
	s0 =	simm.s32 @p1 $0x1  }
0x15: {  	[smem:$0x3FBA] =	sst s0;
	s0 =	simm.s32 @!p2 $0x0  }
0x16: {  	s3 =	sld [smem:$0x3FDB];
	s0 =	simm.s32 @p2 $0x1  }
0x17: {  	s4 =	simm.s32 $0x1BF5;
	[smem:$0x3FBC] =	sst s0  }
0x18: {  	s0 =	sld [smem:$0x3F9F];
	_ =	swait.ge [sflag:s4], $0x0  }
0x19: {  	s7 =	sld [smem:$0x3FA0]  }
0x1a: {  	s8 =	sadd.s32 $0xFFFFE003, lr  }
0x1b: {  	s9 =	sadd.s32 $0xFFFFFEF7, lr;
	s5 =	simm.s32 $0xFFFFFFFF;
	p2 =	slt.u32 s8, $0xFFFFF086  }
0x1c: {  	p1 =	slt.u32 s9, $0xF7A;
	s5 =	simm.s32 @!p2 $0x0  }
0x1d: {  	s5 =	simm.s32 @p1 $0x1;
	p0 =	seq.s32 s7, s2  }
0x1e: {  	s7 =	smul.u32 @!p0 $0xF7A, s2;
	p2 =	seq.s32 @!p0 s5, $0x0  }
0x1f: {  	s9 =	smul.u32 $0xF7A, s1;
	s8 =	simm.s32 @!p0 $0x1BF5;
	p2 =	por !p2, p0  }
0x20: {  	[sflag:s8] =	ssyncset.s32 @!p0 $0xFFFFF086;
	s6 =	sadd.s32 @!p0 s3, s7;
	s7 =	simm.s32 @!p0 $0x108  }
0x21: {  	s3 =	sadd.s32 s3, s9;
	s6 =	sadd.s32 @!p0 $0x88, s6;
	s7 =	simm.s32 @p2 $0x1082  }
0x22: {  	[simem:s7], [sflag:s8] =	dma.local @!p0 [hbm:s6], $0xF7A  }
0x23: {  	s9 =	sor.u32 $0xD0000000, s2;
	s6 =	simm.s32 $0x108;
	_ =	swait.ge @!p0 [sflag:s8], $0x0  }
0x24: {  	s3 =	sadd.s32 $0x88, s3;
	s6 =	simm.s32 @!p1 $0x1082;
	[sflag:s4] =	ssyncset.s32 $0xFFFFF086  }
0x25: {  	[simem:s6], [sflag:s4] =	dma.local [hbm:s3], $0xF7A  }
0x26: {  	[smem:$0x3FA0] =	sst s1;
	(tag) =	ssettag s2;
	_ =	strace s9  }
0x27: {  	s1 =	sld [smem:$0x3FB0]  }
0x28: {  	s2 =	sld [smem:$0x3FB1]  }
0x29: {  	s4 =	sld [smem:$0x3FB3]  }
0x2a: {  	p0 =	seq.s32 s5, $0x0;
	s5 =	sld [smem:$0x3FB4]  }
0x2b: {  	s6 =	sld [smem:$0x3FB5]  }
0x2c: {  	s7 =	sld [smem:$0x3FB6]  }
0x2d: {  	s3 =	simm.s32 $0x108;
	s8 =	sld [smem:$0x3FB7]  }
0x2e: {  	s3 =	simm.s32 @!p0 $0x1082;
	s9 =	sld [smem:$0x3FB8]  }
0x2f: {  	lr =	sadd.s32 s0, s3;
	s0 =	sld [smem:$0x3FAF]  }
0x30: {  	s3 =	sld [smem:$0x3FB2]  }
0x31: {  	[smem:$0x3FBB] =	sst s10  }
0x32: {  	s10 =	sld [smem:$0x3FB9];
	_ =	sdelay $0x3  }
0x33: {  	p0 =	seq.s32 s10, $0x1;
	s10 =	sld [smem:$0x3FBB];
	_ =	sdelay $0x3  }
0x34: {  	[smem:$0x3FBB] =	sst s10  }
0x35: {  	s10 =	sld [smem:$0x3FBA];
	_ =	sdelay $0x3  }
0x36: {  	p1 =	seq.s32 s10, $0x1;
	s10 =	sld [smem:$0x3FBB];
	_ =	sdelay $0x3  }
0x37: {  	[smem:$0x3FBB] =	sst s10  }
0x38: {  	s10 =	sld [smem:$0x3FBC]  }
0x39: {  	_ = 	snop;
	(pc) =	sbr.ind lr, $3  }
0x3a: {  	_ = 	snop  }
0x3b: {  	_ = 	snop  }
0x3c: {  	p2 =	seq.s32 s10, $0x1;
	s10 =	sld [smem:$0x3FBB]  }
0x3d: {  	_ =	shalt  }
0x3e: {  	_ =	shalt  }
0x3f: {  	_ =	shalt  }
0x40: {  	_ =	shalt  }
0x41: {  	_ =	shalt  }
0x42: {  	_ =	shalt  }
0x43: {  	_ =	shalt  }
0x44: {  	_ =	shalt  }
0x45: {  	_ =	shalt  }
0x46: {  	_ =	shalt  }
0x47: {  	_ =	shalt  }
0x48: {  	_ =	shalt  }
0x49: {  	_ =	shalt  }
0x4a: {  	_ =	shalt  }
0x4b: {  	_ =	shalt  }
0x4c: {  	_ =	shalt  }
0x4d: {  	_ =	shalt  }
0x4e: {  	_ =	shalt  }
0x4f: {  	_ =	shalt  }
0x50: {  	_ =	shalt  }
0x51: {  	_ =	shalt  }
0x52: {  	_ =	shalt  }
0x53: {  	_ =	shalt  }
0x54: {  	_ =	shalt  }
0x55: {  	_ =	shalt  }
0x56: {  	_ =	shalt  }
0x57: {  	_ =	shalt  }
0x58: {  	_ =	shalt  }
0x59: {  	_ =	shalt  }
0x5a: {  	_ =	shalt  }
0x5b: {  	_ =	shalt  }
0x5c: {  	_ =	shalt  }
0x5d: {  	_ =	shalt  }
0x5e: {  	_ =	shalt  }
0x5f: {  	_ =	shalt  }
0x60: {  	_ =	shalt  }
0x61: {  	_ =	shalt  }
0x62: {  	_ =	shalt  }
0x63: {  	_ =	shalt  }
0x64: {  	_ =	shalt  }
0x65: {  	_ =	shalt  }
0x66: {  	_ =	shalt  }
0x67: {  	_ =	shalt  }
0x68: {  	_ =	shalt  }
0x69: {  	_ =	shalt  }
0x6a: {  	_ =	shalt  }
0x6b: {  	_ =	shalt  }
0x6c: {  	_ =	shalt  }
0x6d: {  	_ =	shalt  }
0x6e: {  	_ =	shalt  }
0x6f: {  	_ =	shalt  }
0x70: {  	_ =	shalt  }
0x71: {  	_ =	shalt  }
0x72: {  	_ =	shalt  }
0x73: {  	_ =	shalt  }
0x74: {  	_ =	shalt  }
0x75: {  	_ =	shalt  }
0x76: {  	_ =	shalt  }
0x77: {  	_ =	shalt  }
0x78: {  	_ =	shalt  }
0x79: {  	_ =	shalt  }
0x7a: {  	_ =	shalt  }
0x7b: {  	_ =	shalt  }
0x7c: {  	_ =	shalt  }
0x7d: {  	_ =	shalt  }
0x7e: {  	_ =	shalt  }
0x7f: {  	_ =	shalt  }
0x80: {  	_ =	shalt  }
0x81: {  	_ =	shalt  }
0x82: {  	_ =	shalt  }
0x83: {  	_ =	shalt  }
0x84: {  	_ =	shalt  }
0x85: {  	_ =	shalt  }
0x86: {  	_ =	shalt  }
0x87: {  	_ =	shalt  }
.Lfunc_end0:
.L_simem_size_0:
called_computation_lowered:
.L_overlay_start_0:
0x88: {  	s0 =	sld [smem:$0x3FD9]  }
0x89: {  	s1 =	sld [smem:$0x3FFE];
	_ =	sdelay $0x3  }
0x8a: {  	s0 =	sadd.s32 s1, s0  }
0x8b: {  	[smem:$0x3FC7] =	sst s0  }
0x8c: {  	_ = 	snop  }
0x8d: {  	s2 =	sld [smem:$0x3FC9]  }
0x8e: {  	s0 =	sld [smem:$0x3FD0];
	(tm) =	ssettm $0x1  }
0x8f: {  	s23 =	sld [smem:$0x3FFB];
	_ =	sdelay $0x3  }
0x90: {  	_ =	strace s23  }
0x91: {  	s1 =	sld [smem:$0x3FFC];
	_ =	sdelay $0x3  }
0x92: {  	_ =	strace s1  }
0x93: {  	s1 =	sld [smem:$0x3FFD];
	_ =	sdelay $0x3  }
0x94: {  	_ =	strace s1  }
0x95: {  	s24 =	simm.s32 $0x1B8B;
	_ =	strace $0x8FFFFFFF  }
0x96: {  	_ =	swait.ge [sflag:s24], $0x1  }
0x97: {  	[sflag:s24] =	ssyncset.done $0x0  }
0x98: {  	s25 =	simm.s32 $0x1B8E;
	[sflag:s24] =	ssyncadd.s32 $0xFFFFFFFF  }
0x99: {  	[smem:$0x3FD2] =	sst s25  }
0x9a: {  	s3 =	simm.s32 $0x10;
	s1 =	simm.s32 $0x9;
	_ =	strace $0x80000046  }
0x9b: {  	[smem:s3], [sflag:s1] =	dma.local [hbm:s2], $0x10  }
0x9c: {  	_ =	swait.ge [sflag:s1], $0x10  }
0x9d: {  	[sflag:s1] =	ssyncset.done $0x0  }
0x9e: {  	[sflag:s1] =	ssyncadd.s32 $0xFFFFFFF0  }
0x9f: {  	s5 =	sld [smem:$0x10]  }
0xa0: {  	s4 =	sld [smem:$0x11]  }
0xa1: {  	s2 =	sld [smem:$0x12]  }
0xa2: {  	s3 =	sld [smem:$0x13];
	_ =	sdelay $0x3  }
0xa3: {  	s6 =	smax.f32 s5, s4;
	s7 =	smax.f32 s2, s3  }
0xa4: {  	s6 =	smax.f32 s6, s7  }
0xa5: {  	s7 =	ssub.f32 s5, s6;
	_ =	sdelay $0x1  }
0xa6: {  	s7 =	smul.f32 $1.442695020e+00, s7;
	_ =	sdelay $0x1  }
0xa7: {  	s7 =	smax.f32 s7, $-2.800000000e+01  }
0xa8: {  	s8 =	scvt.f32.s32 s7;
	_ =	sdelay $0x1  }
0xa9: {  	s9 =	scvt.s32.f32 s8;
	_ =	sdelay $0x1  }
0xaa: {  	p0 =	slt.f32 s7, s9  }
0xab: {  	s26 =	ssub.f32 s4, s6;
	s9 =	simm.s32 $0x1  }
0xac: {  	s28 =	ssub.f32 s2, s6;
	s9 =	simm.s32 @!p0 $0x0  }
0xad: {  	s6 =	ssub.f32 s3, s6;
	s8 =	ssub.s32 s8, s9  }
0xae: {  	s9 =	smul.f32 $1.442695020e+00, s26;
	s10 =	scvt.s32.f32 s8  }
0xaf: {  	s6 =	smul.f32 $1.442695020e+00, s6  }
0xb0: {  	s9 =	smax.f32 s9, $-2.800000000e+01;
	s7 =	ssub.f32 s7, s10  }
0xb1: {  	s12 =	scvt.f32.s32 s9;
	s10 =	smul.f32 $1.442695020e+00, s28  }
0xb2: {  	s11 =	smul.f32 $1.369766430e-02, s7  }
0xb3: {  	s13 =	scvt.s32.f32 s12;
	s10 =	smax.f32 s10, $-2.800000000e+01  }
0xb4: {  	s29 =	smax.f32 s6, $-2.800000000e+01;
	s14 =	scvt.f32.s32 s10  }
0xb5: {  	s11 =	sadd.f32 $5.169035870e-02, s11;
	p0 =	slt.f32 s9, s13  }
0xb6: {  	s6 =	simm.s32 $0x1;
	s16 =	scvt.f32.s32 s29;
	s15 =	scvt.s32.f32 s14  }
0xb7: {  	s11 =	smul.f32 s11, s7;
	s6 =	simm.s32 @!p0 $0x0  }
0xb8: {  	s30 =	scvt.s32.f32 s16;
	s12 =	ssub.s32 s12, s6;
	p0 =	slt.f32 s10, s15  }
0xb9: {  	s17 =	simm.s32 $0x1;
	s11 =	sadd.f32 $2.416384520e-01, s11;
	s31 =	scvt.s32.f32 s12  }
0xba: {  	s6 =	simm.s32 $0x1;
	s17 =	simm.s32 @!p0 $0x0;
	p0 =	slt.f32 s29, s30  }
0xbb: {  	s11 =	smul.f32 s11, s7;
	s9 =	ssub.f32 s9, s31;
	s14 =	ssub.s32 s14, s17  }
0xbc: {  	s8 =	sadd.s32 $0x1D, s8;
	s17 =	scvt.s32.f32 s14;
	s6 =	simm.s32 @!p0 $0x0  }
0xbd: {  	s11 =	sadd.f32 $6.929661040e-01, s11;
	s18 =	smul.f32 $1.369766430e-02, s9;
	s16 =	ssub.s32 s16, s6  }
0xbe: {  	s6 =	simm.s32 $0x1;
	s10 =	ssub.f32 s10, s17;
	s19 =	scvt.s32.f32 s16  }
0xbf: {  	s8 =	sshll.u32 s6, s8;
	s7 =	smul.f32 s11, s7;
	s20 =	sadd.f32 $5.169035870e-02, s18  }
0xc0: {  	s8 =	scvt.s32.f32 s8;
	s21 =	smul.f32 $1.369766430e-02, s10  }
0xc1: {  	s13 =	ssub.f32 s29, s19;
	s11 =	smul.f32 s20, s9  }
0xc2: {  	s8 =	smul.f32 $1.862645150e-09, s8;
	s22 =	sadd.f32 $5.169035870e-02, s21  }
0xc3: {  	s7 =	sadd.f32 $1.000002740e+00, s7;
	s23 =	smul.f32 $1.369766430e-02, s13  }
0xc4: {  	s11 =	sadd.f32 $2.416384520e-01, s11;
	s15 =	smul.f32 s22, s10  }
0xc5: {  	s25 =	sadd.s32 $0x1D, s12;
	s18 =	smul.f32 s7, s8;
	s17 =	sadd.f32 $5.169035870e-02, s23  }
0xc6: {  	s8 =	sshll.u32 s6, s25;
	s11 =	smul.f32 s11, s9;
	s15 =	sadd.f32 $2.416384520e-01, s15  }
0xc7: {  	s8 =	scvt.s32.f32 s8;
	s17 =	smul.f32 s17, s13  }
0xc8: {  	s24 =	sadd.f32 $6.929661040e-01, s11;
	s26 =	smul.f32 s15, s10  }
0xc9: {  	s29 =	sadd.s32 $0x1D, s14;
	s8 =	smul.f32 $1.862645150e-09, s8;
	s28 =	sadd.f32 $2.416384520e-01, s17  }
0xca: {  	s7 =	smul.f32 s24, s9;
	s9 =	sshll.u32 s6, s29;
	s11 =	sadd.f32 $6.929661040e-01, s26  }
0xcb: {  	s12 =	smul.f32 s28, s13;
	s9 =	scvt.s32.f32 s9  }
0xcc: {  	s31 =	sadd.s32 $0x1D, s16;
	s7 =	sadd.f32 $1.000002740e+00, s7;
	s10 =	smul.f32 s11, s10  }
0xcd: {  	s30 =	sadd.f32 $6.929661040e-01, s12;
	s9 =	smul.f32 $1.862645150e-09, s9;
	s12 =	sshll.u32 s6, s31  }
0xce: {  	s8 =	smul.f32 s7, s8;
	s15 =	scvt.s32.f32 s12  }
0xcf: {  	s10 =	sadd.f32 $1.000002740e+00, s10;
	s11 =	smul.f32 s30, s13  }
0xd0: {  	s7 =	smul.f32 $1.862645150e-09, s15;
	s19 =	sadd.f32 s8, s18  }
0xd1: {  	s16 =	smul.f32 s10, s9;
	s17 =	sadd.f32 $1.000002740e+00, s11  }
0xd2: {  	_ = 	snop  }
0xd3: {  	s7 =	smul.f32 s17, s7;
	s20 =	sadd.f32 s19, s16  }
0xd4: {  	_ = 	snop  }
0xd5: {  	s9 =	sadd.f32 s20, s7;
	_ =	sdelay $0x1  }
0xd6: {  	s21 =	smul.f32 $-2.000000030e-01, s9;
	_ =	sdelay $0x1  }
0xd7: {  	s10 =	sadd.f32 $8.999999760e-01, s21;
	_ =	sdelay $0x1  }
0xd8: {  	s22 =	smul.f32 s10, s9;
	_ =	sdelay $0x1  }
0xd9: {  	s11 =	ssub.f32 $2.000000000e+00, s22;
	_ =	sdelay $0x1  }
0xda: {  	s10 =	smul.f32 s11, s10;
	_ =	sdelay $0x1  }
0xdb: {  	s11 =	smul.f32 s10, s9;
	_ =	sdelay $0x1  }
0xdc: {  	s11 =	ssub.f32 $2.000000000e+00, s11;
	_ =	sdelay $0x1  }
0xdd: {  	s10 =	smul.f32 s11, s10;
	_ =	sdelay $0x1  }
0xde: {  	s11 =	smul.f32 s10, s9;
	_ =	sdelay $0x1  }
0xdf: {  	s11 =	ssub.f32 $2.000000000e+00, s11;
	_ =	sdelay $0x1  }
0xe0: {  	s10 =	smul.f32 s11, s10;
	_ =	sdelay $0x1  }
0xe1: {  	s11 =	smul.f32 s10, s9;
	_ =	sdelay $0x1  }
0xe2: {  	s11 =	ssub.f32 $2.000000000e+00, s11  }
0xe3: {  	p2 =	sgt.f32 s3, s5  }
0xe4: {  	s14 =	simm.s32 $0x1;
	s10 =	smul.f32 s11, s10  }
0xe5: {  	p1 =	sgt.f32 s2, s5;
	p0 =	sgt.f32 s4, s5;
	s14 =	simm.s32 @!p2 $0x0  }
0xe6: {  	s12 =	simm.s32 $0x1;
	s11 =	simm.s32 $0x1;
	s9 =	smul.f32 s10, s9  }
0xe7: {  	s12 =	simm.s32 @!p1 $0x0;
	s11 =	simm.s32 @!p0 $0x0;
	p0 =	sge.f32 s5, s4  }
0xe8: {  	s23 =	sadd.s32 s11, s12;
	s12 =	simm.s32 $0x1;
	s9 =	ssub.f32 $2.000000000e+00, s9  }
0xe9: {  	p1 =	sgt.f32 s2, s4;
	s12 =	simm.s32 @!p0 $0x0;
	p0 =	sgt.f32 s3, s4  }
0xea: {  	s9 =	smul.f32 s9, s10;
	s10 =	sadd.s32 s14, s23;
	s14 =	simm.s32 $0x1  }
0xeb: {  	p2 =	slt.u32 s10, $0x2;
	s14 =	simm.s32 @!p1 $0x0;
	s10 =	simm.s32 $0x1  }
0xec: {  	s11 =	smul.f32 s9, s18;
	s12 =	sadd.s32 s12, s14;
	s10 =	simm.s32 @!p0 $0x0  }
0xed: {  	p0 =	sge.f32 s5, s2;
	s10 =	sadd.s32 s10, s12;
	s12 =	smul.f32 s9, s8  }
0xee: {  	s11 =	simm.s32 @!p2 $0x0;
	p1 =	slt.u32 s10, $0x2;
	p2 =	sge.f32 s4, s2  }
0xef: {  	s13 =	simm.s32 $0x1;
	s10 =	simm.s32 $0x1;
	s12 =	simm.s32 @!p1 $0x0  }
0xf0: {  	s10 =	simm.s32 @!p0 $0x0;
	p0 =	sgt.f32 s3, s2;
	s13 =	simm.s32 @!p2 $0x0  }
0xf1: {  	p1 =	sge.f32 s5, s3;
	s10 =	sadd.s32 s13, s10;
	s13 =	simm.s32 $0x1  }
0xf2: {  	s5 =	simm.s32 $0x1;
	s13 =	simm.s32 @!p0 $0x0;
	p0 =	sge.f32 s4, s3  }
0xf3: {  	s5 =	simm.s32 @!p1 $0x0;
	p1 =	sge.f32 s2, s3;
	s4 =	simm.s32 $0x1  }
0xf4: {  	[smem:$0x90] =	sst s11;
	s3 =	smul.f32 s9, s16;
	s4 =	simm.s32 @!p0 $0x0  }
0xf5: {  	s24 =	sadd.s32 s13, s10;
	s6 =	simm.s32 @!p1 $0x0;
	s4 =	sadd.s32 s4, s5  }
0xf6: {  	p0 =	slt.u32 s24, $0x2;
	s25 =	sadd.s32 s6, s4;
	s4 =	smul.f32 s9, s7  }
0xf7: {  	[smem:$0x91] =	sst s12;
	s3 =	simm.s32 @!p0 $0x0;
	p0 =	slt.u32 s25, $0x2  }
0xf8: {  	[smem:$0x92] =	sst s3;
	s4 =	simm.s32 @!p0 $0x0  }
0xf9: {  	s26 =	simm.s32 $0x90;
	[smem:$0x93] =	sst s4  }
0xfa: {  	[hbm:s0], [sflag:s1] =	dma.local [smem:s26], $0x10  }
0xfb: {  	_ =	swait.ge [sflag:s1], $0x10  }
0xfc: {  	[sflag:s1] =	ssyncset.done $0x0  }
0xfd: {  	[sflag:s1] =	ssyncadd.s32 $0xFFFFFFF0  }
0xfe: {  	_ =	strace $0x90000046  }
0xff: {  	_ =	sfence  }
0x100: {  	s28 =	sld [smem:$0x0];
	_ =	sdelay $0x1  }
0x101: {  	s29 =	srdreg.scid  }
0x102: {  	s31 =	sshrl.u32 s29, $0x2;
	s30 =	sshll.u32 s29, $0xD  }
0x103: {  	s2 =	sand.u32 $0x4000, s30;
	s1 =	sand.u32 $0x1, s29;
	s0 =	sadd.s32 s31, s28  }
0x104: {  	s1 =	sor.u32 s2, s1;
	s0 =	sshll.u32 s0, $0x11  }
0x105: {  	s0 =	sor.u32 s0, s1  }
0x106: {  	s0 =	sadd.s32 $0x8F2B, s0;
	(pc) =	sbr.abs _section_cstart, $3  }
0x107: {  	[sflag:s0] =	ssyncadd.remote.s32 $0x1  }
0x108: {  	_ =	strace $0x9FFFFFFF  }
0x109: {  	(tm) =	ssettm $0x7FFFFFFF  }

</sc_bundles>
